<compile_context>
chip_gen: v7x
topology: tpu7x:2x2x1
jax: 0.10.2.dev20260603
libtpu: 0.0.44.dev20260713+nightly
codegen_flags: <defaults>
</compile_context>

<pallas_src>
import functools

import jax
import jax.numpy as jnp
import numpy as np
from jax import lax
from jax.experimental import pallas as pl
from jax.experimental.pallas import tpu as pltpu
from jax.experimental.pallas import tpu_sc as plsc

N_NODES = 10000
N_EDGES = 320000
D = 128
NLANE = 16

NW = 32
E_PER_W = N_EDGES // NW
CHUNK = 80
N_CHUNKS = E_PER_W // CHUNK
NGROUP = CHUNK // NLANE
NBUF = 4

_BITREV = [0, 8, 4, 12, 2, 10, 6, 14, 1, 9, 5, 13, 3, 11, 7, 15]


def _body(emb_hbm, src_hbm, dst_hbm, out_hbm,
          sidx_v, didx_v, u_v, v_v, out_v, sem):
    wid = lax.axis_index("s") * 2 + lax.axis_index("c")
    base_w = wid * E_PER_W

    pltpu.sync_copy(src_hbm.at[pl.ds(base_w, E_PER_W)], sidx_v)
    pltpu.sync_copy(dst_hbm.at[pl.ds(base_w, E_PER_W)], didx_v)

    lane = lax.iota(jnp.int32, NLANE)
    perms = {s: jnp.reshape(lane ^ s, (NLANE, 1)) for s in (8, 4, 2, 1)}
    masks = {s: (lane & s) == 0 for s in (8, 4, 2, 1)}
    gdn = lax.GatherDimensionNumbers(
        offset_dims=(), collapsed_slice_dims=(0,), start_index_map=(0,))

    def take16(x, s):
        return lax.gather(x, perms[s], gdn, (1,),
                          mode=lax.GatherScatterMode.PROMISE_IN_BOUNDS)

    def compute_chunk(ci, buf):
        zero = jnp.zeros((NLANE,), jnp.float32)

        @plsc.parallel_loop(0, NGROUP)
        def group_body(g):
            def jbody(j, accs):
                off = j * 2 * NLANE
                new = []
                for p in range(NLANE):
                    e = g * NLANE + _BITREV[p]
                    up = u_v[buf, e, pl.ds(off, 2 * NLANE)]
                    vp = v_v[buf, e, pl.ds(off, 2 * NLANE)]
                    ua, ub = plsc.unpack(up, format=plsc.PackFormat.INTERLEAVED)
                    va, vb = plsc.unpack(vp, format=plsc.PackFormat.INTERLEAVED)
                    new.append(accs[p] + ua * va + ub * vb)
                return tuple(new)

            vecs = list(
                lax.fori_loop(0, D // (2 * NLANE), jbody, (zero,) * NLANE))
            for s in (8, 4, 2, 1):
                nxt = []
                for q in range(0, len(vecs), 2):
                    a2 = vecs[q] + take16(vecs[q], s)
                    b2 = vecs[q + 1] + take16(vecs[q + 1], s)
                    nxt.append(jnp.where(masks[s], a2, b2))
                vecs = nxt
            out_v[pl.ds(ci * CHUNK + g * NLANE, NLANE)] = vecs[0]

    def issue(i, b):
        pltpu.async_copy(
            emb_hbm.at[sidx_v.at[pl.ds(i * CHUNK, CHUNK)]], u_v.at[b],
            sem.at[b])
        pltpu.async_copy(
            emb_hbm.at[didx_v.at[pl.ds(i * CHUNK, CHUNK)]], v_v.at[b],
            sem.at[b])

    for k in range(NBUF - 1):
        issue(k, k)

    def chunk_body(i, _):
        b = lax.rem(i, NBUF)

        @pl.when(i + NBUF - 1 < N_CHUNKS)
        def _():
            issue(i + NBUF - 1, lax.rem(i + NBUF - 1, NBUF))

        pltpu.make_async_copy(
            emb_hbm.at[sidx_v.at[pl.ds(0, CHUNK)]], u_v.at[b],
            sem.at[b]).wait()
        pltpu.make_async_copy(
            emb_hbm.at[didx_v.at[pl.ds(0, CHUNK)]], v_v.at[b],
            sem.at[b]).wait()
        return 0

    lax.fori_loop(0, N_CHUNKS, chunk_body, 0)

    pltpu.sync_copy(out_v, out_hbm.at[pl.ds(base_w, E_PER_W)])


@jax.jit
def kernel(node_embeddings, edge_index):
    emb16 = node_embeddings.astype(jnp.bfloat16)
    src = edge_index[0].astype(jnp.int32)
    dst = edge_index[1].astype(jnp.int32)
    mesh = plsc.VectorSubcoreMesh(core_axis_name="c", subcore_axis_name="s")
    f = functools.partial(
        pl.kernel,
        mesh=mesh,
        compiler_params=pltpu.CompilerParams(needs_layout_passes=False, use_tc_tiling_on_sc=False),
        out_type=jax.ShapeDtypeStruct((N_EDGES,), jnp.float32),
        scratch_types=[
            pltpu.VMEM((E_PER_W,), jnp.int32),
            pltpu.VMEM((E_PER_W,), jnp.int32),
            pltpu.VMEM((NBUF, CHUNK, D), jnp.bfloat16),
            pltpu.VMEM((NBUF, CHUNK, D), jnp.bfloat16),
            pltpu.VMEM((E_PER_W,), jnp.float32),
            pltpu.SemaphoreType.DMA((NBUF,)),
        ],
    )(_body)
    return f(emb16, src, dst)

# --- scband reference (transcript-rebuilt; emitter-appended) ---
"""Pipeline reference for scband-dot-predictor-5179730559506 (READ-ONLY COPY).

The authoritative reference and input builder live on the scoring server;
editing this copy changes nothing except your own understanding.
"""

import jax, jax.numpy as jnp
import numpy as np

N_NODES = 10000
N_EDGES = 320000
D_FEAT = 128

def setup_inputs(seed: int = 0) -> dict:
    key = jax.random.key(seed)
    k1, k2 = jax.random.split(key)
    node_embeddings = jax.random.normal(k1, (N_NODES, D_FEAT), dtype=jnp.float32)
    edge_index = jax.random.randint(k2, (2, N_EDGES), 0, N_NODES, dtype=jnp.int64)
    return {"node_embeddings": node_embeddings, "edge_index": edge_index}

def reference(node_embeddings, edge_index):
    # DGL u_dot_v: for each edge (u, v), score = dot(emb[u], emb[v]).
    # edge_index[0] = source nodes (u), edge_index[1] = destination nodes (v).
    src = edge_index[0]
    dst = edge_index[1]
    u_emb = jnp.take(node_embeddings, src, axis=0)  # gather [E, d]
    v_emb = jnp.take(node_embeddings, dst, axis=0)  # gather [E, d]
    score = jnp.sum(u_emb * v_emb, axis=-1)  # [E]
    # original returns torch.squeeze(score, 1) on [E, 1] -> [E]
    return score

if __name__ == "__main__":
    import jax
    _d = setup_inputs()
    print(jax.jit(kernel)(*tuple(_d.values())))

</pallas_src>

<mosaic_0001>
#map = affine_map<(d0, d1) -> (0, 0)>
#map1 = affine_map<(d0, d1) -> (0)>
module attributes {stable_mosaic.version = 14 : i64} {
  func.func @_body(%arg0: i32, %arg1: i32, %arg2: memref<10000x128xbf16, #tpu.memory_space<hbm>>, %arg3: memref<320000xi32, #tpu.memory_space<hbm>>, %arg4: memref<320000xi32, #tpu.memory_space<hbm>>, %arg5: memref<320000xf32, #tpu.memory_space<hbm>>, %arg6: memref<10000xi32, #tpu.memory_space<vmem>>, %arg7: memref<10000xi32, #tpu.memory_space<vmem>>, %arg8: memref<4x80x128xbf16, #tpu.memory_space<vmem>>, %arg9: memref<4x80x128xbf16, #tpu.memory_space<vmem>>, %arg10: memref<10000xf32, #tpu.memory_space<vmem>>, %arg11: memref<4x!tpu.dma_semaphore, #tpu.memory_space<semaphore_mem>>) attributes {dimension_semantics = [#tpu.dimension_semantics<core_parallel>, #tpu.dimension_semantics<subcore_parallel>], iteration_bounds = array<i64: 2, 16>, scalar_prefetch = 0 : i64, scratch_operands = 6 : i64, tpu.core_type = #tpu.core_type<sc_vector_subcore>, window_params = [{transform_indices = #map}, {transform_indices = #map1}, {transform_indices = #map1}, {transform_indices = #map1}]} {
    %mul3A = arith.constant 2 : i32
    %mul3A_0 = arith.muli %arg1, %mul3A : i32
    %add3A = arith.addi %mul3A_0, %arg0 : i32
    %mul3A_1 = arith.constant 10000 : i32
    %mul3A_2 = arith.muli %add3A, %mul3A_1 : i32
    "tpu.region"() ({
      %run_scoped3A = tpu.sem_alloc : memref<!tpu.dma_semaphore, #tpu.memory_space<semaphore_mem>>
      %dma_start3A_122 = tpu.memref_slice %arg3[%mul3A_2] : memref<320000xi32, #tpu.memory_space<hbm>> -> memref<10000xi32, #tpu.memory_space<hbm>>
      %dma_start3A_123 = tpu.memref_slice %arg3[%mul3A_2] : memref<320000xi32, #tpu.memory_space<hbm>> -> memref<10000xi32, #tpu.memory_space<hbm>>
      tpu.enqueue_dma source(%dma_start3A_123 : memref<10000xi32, #tpu.memory_space<hbm>>) target(%arg6 : memref<10000xi32, #tpu.memory_space<vmem>>) target_semaphore(%run_scoped3A : memref<!tpu.dma_semaphore, #tpu.memory_space<semaphore_mem>>)
      %dma_wait3A = tpu.memref_slice %arg3[%mul3A_2] : memref<320000xi32, #tpu.memory_space<hbm>> -> memref<10000xi32, #tpu.memory_space<hbm>>
      %dma_wait3A_124 = tpu.memref_slice %arg3[%mul3A_2] : memref<320000xi32, #tpu.memory_space<hbm>> -> memref<10000xi32, #tpu.memory_space<hbm>>
      tpu.wait_dma2 semaphore(%run_scoped3A : memref<!tpu.dma_semaphore, #tpu.memory_space<semaphore_mem>>) src(%dma_wait3A_124 : memref<10000xi32, #tpu.memory_space<hbm>>) dst(%arg6 : memref<10000xi32, #tpu.memory_space<vmem>>)
      tpu.yield
    }) : () -> ()
    "tpu.region"() ({
      %run_scoped3A = tpu.sem_alloc : memref<!tpu.dma_semaphore, #tpu.memory_space<semaphore_mem>>
      %dma_start3A_122 = tpu.memref_slice %arg4[%mul3A_2] : memref<320000xi32, #tpu.memory_space<hbm>> -> memref<10000xi32, #tpu.memory_space<hbm>>
      %dma_start3A_123 = tpu.memref_slice %arg4[%mul3A_2] : memref<320000xi32, #tpu.memory_space<hbm>> -> memref<10000xi32, #tpu.memory_space<hbm>>
      tpu.enqueue_dma source(%dma_start3A_123 : memref<10000xi32, #tpu.memory_space<hbm>>) target(%arg7 : memref<10000xi32, #tpu.memory_space<vmem>>) target_semaphore(%run_scoped3A : memref<!tpu.dma_semaphore, #tpu.memory_space<semaphore_mem>>)
      %dma_wait3A = tpu.memref_slice %arg4[%mul3A_2] : memref<320000xi32, #tpu.memory_space<hbm>> -> memref<10000xi32, #tpu.memory_space<hbm>>
      %dma_wait3A_124 = tpu.memref_slice %arg4[%mul3A_2] : memref<320000xi32, #tpu.memory_space<hbm>> -> memref<10000xi32, #tpu.memory_space<hbm>>
      tpu.wait_dma2 semaphore(%run_scoped3A : memref<!tpu.dma_semaphore, #tpu.memory_space<semaphore_mem>>) src(%dma_wait3A_124 : memref<10000xi32, #tpu.memory_space<hbm>>) dst(%arg7 : memref<10000xi32, #tpu.memory_space<vmem>>)
      tpu.yield
    }) : () -> ()
    %iota3A = tpu.iota {dimensions = array<i32: 0>} : vector<16xi32>
    %xor3A = arith.constant 8 : i32
    %xor3A_3 = vector.broadcast %xor3A : i32 to vector<16xi32>
    %xor3A_4 = arith.xori %iota3A, %xor3A_3 : vector<16xi32>
    %reshape3A = vector.shape_cast %xor3A_4 : vector<16xi32> to vector<16x1xi32>
    %xor3A_5 = arith.constant 4 : i32
    %xor3A_6 = vector.broadcast %xor3A_5 : i32 to vector<16xi32>
    %xor3A_7 = arith.xori %iota3A, %xor3A_6 : vector<16xi32>
    %reshape3A_8 = vector.shape_cast %xor3A_7 : vector<16xi32> to vector<16x1xi32>
    %xor3A_9 = arith.constant 2 : i32
    %xor3A_10 = vector.broadcast %xor3A_9 : i32 to vector<16xi32>
    %xor3A_11 = arith.xori %iota3A, %xor3A_10 : vector<16xi32>
    %reshape3A_12 = vector.shape_cast %xor3A_11 : vector<16xi32> to vector<16x1xi32>
    %xor3A_13 = arith.constant 1 : i32
    %xor3A_14 = vector.broadcast %xor3A_13 : i32 to vector<16xi32>
    %xor3A_15 = arith.xori %iota3A, %xor3A_14 : vector<16xi32>
    %reshape3A_16 = vector.shape_cast %xor3A_15 : vector<16xi32> to vector<16x1xi32>
    %and3A = arith.constant 8 : i32
    %and3A_17 = vector.broadcast %and3A : i32 to vector<16xi32>
    %and3A_18 = arith.andi %iota3A, %and3A_17 : vector<16xi32>
    %eq3A = arith.constant 0 : i32
    %eq3A_19 = vector.broadcast %eq3A : i32 to vector<16xi32>
    %eq3A_20 = arith.cmpi eq, %and3A_18, %eq3A_19 : vector<16xi32>
    %and3A_21 = arith.constant 4 : i32
    %and3A_22 = vector.broadcast %and3A_21 : i32 to vector<16xi32>
    %and3A_23 = arith.andi %iota3A, %and3A_22 : vector<16xi32>
    %eq3A_24 = arith.constant 0 : i32
    %eq3A_25 = vector.broadcast %eq3A_24 : i32 to vector<16xi32>
    %eq3A_26 = arith.cmpi eq, %and3A_23, %eq3A_25 : vector<16xi32>
    %and3A_27 = arith.constant 2 : i32
    %and3A_28 = vector.broadcast %and3A_27 : i32 to vector<16xi32>
    %and3A_29 = arith.andi %iota3A, %and3A_28 : vector<16xi32>
    %eq3A_30 = arith.constant 0 : i32
    %eq3A_31 = vector.broadcast %eq3A_30 : i32 to vector<16xi32>
    %eq3A_32 = arith.cmpi eq, %and3A_29, %eq3A_31 : vector<16xi32>
    %and3A_33 = arith.constant 1 : i32
    %and3A_34 = vector.broadcast %and3A_33 : i32 to vector<16xi32>
    %and3A_35 = arith.andi %iota3A, %and3A_34 : vector<16xi32>
    %eq3A_36 = arith.constant 0 : i32
    %eq3A_37 = vector.broadcast %eq3A_36 : i32 to vector<16xi32>
    %eq3A_38 = arith.cmpi eq, %and3A_35, %eq3A_37 : vector<16xi32>
    %dma_start3A = arith.constant 0 : i32
    %dma_start3A_39 = arith.constant 0 : i32
    %dma_start3A_40 = arith.constant 0 : i32
    %dma_start3A_41 = arith.constant 0 : i32
    %dma_start3A_42 = tpu.memref_slice %arg8[%dma_start3A, %dma_start3A_40, %dma_start3A_41] : memref<4x80x128xbf16, #tpu.memory_space<vmem>> -> memref<1x80x128xbf16, #tpu.memory_space<vmem>>
    %dma_start3A_43 = tpu.memref_squeeze %dma_start3A_42 : memref<1x80x128xbf16, #tpu.memory_space<vmem>> -> memref<80x128xbf16, #tpu.memory_space<vmem>>
    %dma_start3A_44 = arith.constant 0 : i32
    %dma_start3A_45 = tpu.memref_slice %arg6[%dma_start3A_44] : memref<10000xi32, #tpu.memory_space<vmem>> -> memref<80xi32, #tpu.memory_space<vmem>>
    %dma_start3A_46 = arith.constant 0 : i32
    %dma_start3A_47 = arith.constant 0 : i32
    %dma_start3A_48 = tpu.memref_slice %arg2[%dma_start3A_46, %dma_start3A_47] : memref<10000x128xbf16, #tpu.memory_space<hbm>> -> memref<10000x128xbf16, #tpu.memory_space<hbm>>
    %dma_start3A_49 = tpu.memref_slice %arg11[%dma_start3A_39] : memref<4x!tpu.dma_semaphore, #tpu.memory_space<semaphore_mem>> -> memref<1x!tpu.dma_semaphore, #tpu.memory_space<semaphore_mem>>
    %dma_start3A_50 = tpu.memref_squeeze %dma_start3A_49 : memref<1x!tpu.dma_semaphore, #tpu.memory_space<semaphore_mem>> -> memref<!tpu.dma_semaphore, #tpu.memory_space<semaphore_mem>>
    tpu.enqueue_indirect_dma source(%dma_start3A_48 : memref<10000x128xbf16, #tpu.memory_space<hbm>>) target(%dma_start3A_43 : memref<80x128xbf16, #tpu.memory_space<vmem>>) offsets(%dma_start3A_45 : memref<80xi32, #tpu.memory_space<vmem>>) semaphore(%dma_start3A_50 : memref<!tpu.dma_semaphore, #tpu.memory_space<semaphore_mem>>)
    %dma_start3A_51 = arith.constant 0 : i32
    %dma_start3A_52 = arith.constant 0 : i32
    %dma_start3A_53 = arith.constant 0 : i32
    %dma_start3A_54 = arith.constant 0 : i32
    %dma_start3A_55 = tpu.memref_slice %arg9[%dma_start3A_51, %dma_start3A_53, %dma_start3A_54] : memref<4x80x128xbf16, #tpu.memory_space<vmem>> -> memref<1x80x128xbf16, #tpu.memory_space<vmem>>
    %dma_start3A_56 = tpu.memref_squeeze %dma_start3A_55 : memref<1x80x128xbf16, #tpu.memory_space<vmem>> -> memref<80x128xbf16, #tpu.memory_space<vmem>>
    %dma_start3A_57 = arith.constant 0 : i32
    %dma_start3A_58 = tpu.memref_slice %arg7[%dma_start3A_57] : memref<10000xi32, #tpu.memory_space<vmem>> -> memref<80xi32, #tpu.memory_space<vmem>>
    %dma_start3A_59 = arith.constant 0 : i32
    %dma_start3A_60 = arith.constant 0 : i32
    %dma_start3A_61 = tpu.memref_slice %arg2[%dma_start3A_59, %dma_start3A_60] : memref<10000x128xbf16, #tpu.memory_space<hbm>> -> memref<10000x128xbf16, #tpu.memory_space<hbm>>
    %dma_start3A_62 = tpu.memref_slice %arg11[%dma_start3A_52] : memref<4x!tpu.dma_semaphore, #tpu.memory_space<semaphore_mem>> -> memref<1x!tpu.dma_semaphore, #tpu.memory_space<semaphore_mem>>
    %dma_start3A_63 = tpu.memref_squeeze %dma_start3A_62 : memref<1x!tpu.dma_semaphore, #tpu.memory_space<semaphore_mem>> -> memref<!tpu.dma_semaphore, #tpu.memory_space<semaphore_mem>>
    tpu.enqueue_indirect_dma source(%dma_start3A_61 : memref<10000x128xbf16, #tpu.memory_space<hbm>>) target(%dma_start3A_56 : memref<80x128xbf16, #tpu.memory_space<vmem>>) offsets(%dma_start3A_58 : memref<80xi32, #tpu.memory_space<vmem>>) semaphore(%dma_start3A_63 : memref<!tpu.dma_semaphore, #tpu.memory_space<semaphore_mem>>)
    %dma_start3A_64 = arith.constant 1 : i32
    %dma_start3A_65 = arith.constant 1 : i32
    %dma_start3A_66 = arith.constant 0 : i32
    %dma_start3A_67 = arith.constant 0 : i32
    %dma_start3A_68 = tpu.memref_slice %arg8[%dma_start3A_64, %dma_start3A_66, %dma_start3A_67] : memref<4x80x128xbf16, #tpu.memory_space<vmem>> -> memref<1x80x128xbf16, #tpu.memory_space<vmem>>
    %dma_start3A_69 = tpu.memref_squeeze %dma_start3A_68 : memref<1x80x128xbf16, #tpu.memory_space<vmem>> -> memref<80x128xbf16, #tpu.memory_space<vmem>>
    %dma_start3A_70 = arith.constant 80 : i32
    %dma_start3A_71 = tpu.memref_slice %arg6[%dma_start3A_70] : memref<10000xi32, #tpu.memory_space<vmem>> -> memref<80xi32, #tpu.memory_space<vmem>>
    %dma_start3A_72 = arith.constant 0 : i32
    %dma_start3A_73 = arith.constant 0 : i32
    %dma_start3A_74 = tpu.memref_slice %arg2[%dma_start3A_72, %dma_start3A_73] : memref<10000x128xbf16, #tpu.memory_space<hbm>> -> memref<10000x128xbf16, #tpu.memory_space<hbm>>
    %dma_start3A_75 = tpu.memref_slice %arg11[%dma_start3A_65] : memref<4x!tpu.dma_semaphore, #tpu.memory_space<semaphore_mem>> -> memref<1x!tpu.dma_semaphore, #tpu.memory_space<semaphore_mem>>
    %dma_start3A_76 = tpu.memref_squeeze %dma_start3A_75 : memref<1x!tpu.dma_semaphore, #tpu.memory_space<semaphore_mem>> -> memref<!tpu.dma_semaphore, #tpu.memory_space<semaphore_mem>>
    tpu.enqueue_indirect_dma source(%dma_start3A_74 : memref<10000x128xbf16, #tpu.memory_space<hbm>>) target(%dma_start3A_69 : memref<80x128xbf16, #tpu.memory_space<vmem>>) offsets(%dma_start3A_71 : memref<80xi32, #tpu.memory_space<vmem>>) semaphore(%dma_start3A_76 : memref<!tpu.dma_semaphore, #tpu.memory_space<semaphore_mem>>)
    %dma_start3A_77 = arith.constant 1 : i32
    %dma_start3A_78 = arith.constant 1 : i32
    %dma_start3A_79 = arith.constant 0 : i32
    %dma_start3A_80 = arith.constant 0 : i32
    %dma_start3A_81 = tpu.memref_slice %arg9[%dma_start3A_77, %dma_start3A_79, %dma_start3A_80] : memref<4x80x128xbf16, #tpu.memory_space<vmem>> -> memref<1x80x128xbf16, #tpu.memory_space<vmem>>
    %dma_start3A_82 = tpu.memref_squeeze %dma_start3A_81 : memref<1x80x128xbf16, #tpu.memory_space<vmem>> -> memref<80x128xbf16, #tpu.memory_space<vmem>>
    %dma_start3A_83 = arith.constant 80 : i32
    %dma_start3A_84 = tpu.memref_slice %arg7[%dma_start3A_83] : memref<10000xi32, #tpu.memory_space<vmem>> -> memref<80xi32, #tpu.memory_space<vmem>>
    %dma_start3A_85 = arith.constant 0 : i32
    %dma_start3A_86 = arith.constant 0 : i32
    %dma_start3A_87 = tpu.memref_slice %arg2[%dma_start3A_85, %dma_start3A_86] : memref<10000x128xbf16, #tpu.memory_space<hbm>> -> memref<10000x128xbf16, #tpu.memory_space<hbm>>
    %dma_start3A_88 = tpu.memref_slice %arg11[%dma_start3A_78] : memref<4x!tpu.dma_semaphore, #tpu.memory_space<semaphore_mem>> -> memref<1x!tpu.dma_semaphore, #tpu.memory_space<semaphore_mem>>
    %dma_start3A_89 = tpu.memref_squeeze %dma_start3A_88 : memref<1x!tpu.dma_semaphore, #tpu.memory_space<semaphore_mem>> -> memref<!tpu.dma_semaphore, #tpu.memory_space<semaphore_mem>>
    tpu.enqueue_indirect_dma source(%dma_start3A_87 : memref<10000x128xbf16, #tpu.memory_space<hbm>>) target(%dma_start3A_82 : memref<80x128xbf16, #tpu.memory_space<vmem>>) offsets(%dma_start3A_84 : memref<80xi32, #tpu.memory_space<vmem>>) semaphore(%dma_start3A_89 : memref<!tpu.dma_semaphore, #tpu.memory_space<semaphore_mem>>)
    %dma_start3A_90 = arith.constant 2 : i32
    %dma_start3A_91 = arith.constant 2 : i32
    %dma_start3A_92 = arith.constant 0 : i32
    %dma_start3A_93 = arith.constant 0 : i32
    %dma_start3A_94 = tpu.memref_slice %arg8[%dma_start3A_90, %dma_start3A_92, %dma_start3A_93] : memref<4x80x128xbf16, #tpu.memory_space<vmem>> -> memref<1x80x128xbf16, #tpu.memory_space<vmem>>
    %dma_start3A_95 = tpu.memref_squeeze %dma_start3A_94 : memref<1x80x128xbf16, #tpu.memory_space<vmem>> -> memref<80x128xbf16, #tpu.memory_space<vmem>>
    %dma_start3A_96 = arith.constant 160 : i32
    %dma_start3A_97 = tpu.memref_slice %arg6[%dma_start3A_96] : memref<10000xi32, #tpu.memory_space<vmem>> -> memref<80xi32, #tpu.memory_space<vmem>>
    %dma_start3A_98 = arith.constant 0 : i32
    %dma_start3A_99 = arith.constant 0 : i32
    %dma_start3A_100 = tpu.memref_slice %arg2[%dma_start3A_98, %dma_start3A_99] : memref<10000x128xbf16, #tpu.memory_space<hbm>> -> memref<10000x128xbf16, #tpu.memory_space<hbm>>
    %dma_start3A_101 = tpu.memref_slice %arg11[%dma_start3A_91] : memref<4x!tpu.dma_semaphore, #tpu.memory_space<semaphore_mem>> -> memref<1x!tpu.dma_semaphore, #tpu.memory_space<semaphore_mem>>
    %dma_start3A_102 = tpu.memref_squeeze %dma_start3A_101 : memref<1x!tpu.dma_semaphore, #tpu.memory_space<semaphore_mem>> -> memref<!tpu.dma_semaphore, #tpu.memory_space<semaphore_mem>>
    tpu.enqueue_indirect_dma source(%dma_start3A_100 : memref<10000x128xbf16, #tpu.memory_space<hbm>>) target(%dma_start3A_95 : memref<80x128xbf16, #tpu.memory_space<vmem>>) offsets(%dma_start3A_97 : memref<80xi32, #tpu.memory_space<vmem>>) semaphore(%dma_start3A_102 : memref<!tpu.dma_semaphore, #tpu.memory_space<semaphore_mem>>)
    %dma_start3A_103 = arith.constant 2 : i32
    %dma_start3A_104 = arith.constant 2 : i32
    %dma_start3A_105 = arith.constant 0 : i32
    %dma_start3A_106 = arith.constant 0 : i32
    %dma_start3A_107 = tpu.memref_slice %arg9[%dma_start3A_103, %dma_start3A_105, %dma_start3A_106] : memref<4x80x128xbf16, #tpu.memory_space<vmem>> -> memref<1x80x128xbf16, #tpu.memory_space<vmem>>
    %dma_start3A_108 = tpu.memref_squeeze %dma_start3A_107 : memref<1x80x128xbf16, #tpu.memory_space<vmem>> -> memref<80x128xbf16, #tpu.memory_space<vmem>>
    %dma_start3A_109 = arith.constant 160 : i32
    %dma_start3A_110 = tpu.memref_slice %arg7[%dma_start3A_109] : memref<10000xi32, #tpu.memory_space<vmem>> -> memref<80xi32, #tpu.memory_space<vmem>>
    %dma_start3A_111 = arith.constant 0 : i32
    %dma_start3A_112 = arith.constant 0 : i32
    %dma_start3A_113 = tpu.memref_slice %arg2[%dma_start3A_111, %dma_start3A_112] : memref<10000x128xbf16, #tpu.memory_space<hbm>> -> memref<10000x128xbf16, #tpu.memory_space<hbm>>
    %dma_start3A_114 = tpu.memref_slice %arg11[%dma_start3A_104] : memref<4x!tpu.dma_semaphore, #tpu.memory_space<semaphore_mem>> -> memref<1x!tpu.dma_semaphore, #tpu.memory_space<semaphore_mem>>
    %dma_start3A_115 = tpu.memref_squeeze %dma_start3A_114 : memref<1x!tpu.dma_semaphore, #tpu.memory_space<semaphore_mem>> -> memref<!tpu.dma_semaphore, #tpu.memory_space<semaphore_mem>>
    tpu.enqueue_indirect_dma source(%dma_start3A_113 : memref<10000x128xbf16, #tpu.memory_space<hbm>>) target(%dma_start3A_108 : memref<80x128xbf16, #tpu.memory_space<vmem>>) offsets(%dma_start3A_110 : memref<80xi32, #tpu.memory_space<vmem>>) semaphore(%dma_start3A_115 : memref<!tpu.dma_semaphore, #tpu.memory_space<semaphore_mem>>)
    %scan3A = arith.constant 0 : i32
    %scan3A_116 = arith.constant 0 : i32
    %scan3A_117 = arith.constant 125 : i32
    %scan3A_118 = arith.addi %scan3A_116, %scan3A_117 : i32
    %scan3A_119 = arith.constant 1 : i32
    %scan3A_120 = scf.for %scan3A_122 = %scan3A_116 to %scan3A_118 step %scan3A_119 iter_args(%scan3A_123 = %scan3A) -> (i32)  : i32 {
      %rem3A = arith.constant 4 : i32
      %rem3A_124 = arith.remsi %scan3A_122, %rem3A : i32
      %add3A_125 = arith.constant 4 : i32
      %add3A_126 = arith.addi %scan3A_122, %add3A_125 : i32
      %sub3A = arith.constant 1 : i32
      %sub3A_127 = arith.subi %add3A_126, %sub3A : i32
      %lt3A = arith.constant 125 : i32
      %lt3A_128 = arith.cmpi slt, %sub3A_127, %lt3A : i32
      %convert_element_type3A = arith.extui %lt3A_128 : i1 to i32
      %cond3A = arith.constant 0 : i32
      %cond3A_129 = arith.cmpi ne, %convert_element_type3A, %cond3A : i32
      scf.if %cond3A_129 {
        %add3A_152 = arith.constant 4 : i32
        %add3A_153 = arith.addi %scan3A_122, %add3A_152 : i32
        %sub3A_154 = arith.constant 1 : i32
        %sub3A_155 = arith.subi %add3A_153, %sub3A_154 : i32
        %add3A_156 = arith.constant 4 : i32
        %add3A_157 = arith.addi %scan3A_122, %add3A_156 : i32
        %sub3A_158 = arith.constant 1 : i32
        %sub3A_159 = arith.subi %add3A_157, %sub3A_158 : i32
        %rem3A_160 = arith.constant 4 : i32
        %rem3A_161 = arith.remsi %sub3A_159, %rem3A_160 : i32
        %mul3A_162 = arith.constant 80 : i32
        %mul3A_163 = arith.muli %sub3A_155, %mul3A_162 : i32
        %dma_start3A_164 = arith.constant 0 : i32
        %dma_start3A_165 = arith.constant 0 : i32
        %dma_start3A_166 = tpu.memref_slice %arg8[%rem3A_161, %dma_start3A_164, %dma_start3A_165] : memref<4x80x128xbf16, #tpu.memory_space<vmem>> -> memref<1x80x128xbf16, #tpu.memory_space<vmem>>
        %dma_start3A_167 = tpu.memref_squeeze %dma_start3A_166 : memref<1x80x128xbf16, #tpu.memory_space<vmem>> -> memref<80x128xbf16, #tpu.memory_space<vmem>>
        %dma_start3A_168 = tpu.memref_slice %arg6[%mul3A_163] : memref<10000xi32, #tpu.memory_space<vmem>> -> memref<80xi32, #tpu.memory_space<vmem>>
        %dma_start3A_169 = arith.constant 0 : i32
        %dma_start3A_170 = arith.constant 0 : i32
        %dma_start3A_171 = tpu.memref_slice %arg2[%dma_start3A_169, %dma_start3A_170] : memref<10000x128xbf16, #tpu.memory_space<hbm>> -> memref<10000x128xbf16, #tpu.memory_space<hbm>>
        %dma_start3A_172 = tpu.memref_slice %arg11[%rem3A_161] : memref<4x!tpu.dma_semaphore, #tpu.memory_space<semaphore_mem>> -> memref<1x!tpu.dma_semaphore, #tpu.memory_space<semaphore_mem>>
        %dma_start3A_173 = tpu.memref_squeeze %dma_start3A_172 : memref<1x!tpu.dma_semaphore, #tpu.memory_space<semaphore_mem>> -> memref<!tpu.dma_semaphore, #tpu.memory_space<semaphore_mem>>
        tpu.enqueue_indirect_dma source(%dma_start3A_171 : memref<10000x128xbf16, #tpu.memory_space<hbm>>) target(%dma_start3A_167 : memref<80x128xbf16, #tpu.memory_space<vmem>>) offsets(%dma_start3A_168 : memref<80xi32, #tpu.memory_space<vmem>>) semaphore(%dma_start3A_173 : memref<!tpu.dma_semaphore, #tpu.memory_space<semaphore_mem>>)
        %mul3A_174 = arith.constant 80 : i32
        %mul3A_175 = arith.muli %sub3A_155, %mul3A_174 : i32
        %dma_start3A_176 = arith.constant 0 : i32
        %dma_start3A_177 = arith.constant 0 : i32
        %dma_start3A_178 = tpu.memref_slice %arg9[%rem3A_161, %dma_start3A_176, %dma_start3A_177] : memref<4x80x128xbf16, #tpu.memory_space<vmem>> -> memref<1x80x128xbf16, #tpu.memory_space<vmem>>
        %dma_start3A_179 = tpu.memref_squeeze %dma_start3A_178 : memref<1x80x128xbf16, #tpu.memory_space<vmem>> -> memref<80x128xbf16, #tpu.memory_space<vmem>>
        %dma_start3A_180 = tpu.memref_slice %arg7[%mul3A_175] : memref<10000xi32, #tpu.memory_space<vmem>> -> memref<80xi32, #tpu.memory_space<vmem>>
        %dma_start3A_181 = arith.constant 0 : i32
        %dma_start3A_182 = arith.constant 0 : i32
        %dma_start3A_183 = tpu.memref_slice %arg2[%dma_start3A_181, %dma_start3A_182] : memref<10000x128xbf16, #tpu.memory_space<hbm>> -> memref<10000x128xbf16, #tpu.memory_space<hbm>>
        %dma_start3A_184 = tpu.memref_slice %arg11[%rem3A_161] : memref<4x!tpu.dma_semaphore, #tpu.memory_space<semaphore_mem>> -> memref<1x!tpu.dma_semaphore, #tpu.memory_space<semaphore_mem>>
        %dma_start3A_185 = tpu.memref_squeeze %dma_start3A_184 : memref<1x!tpu.dma_semaphore, #tpu.memory_space<semaphore_mem>> -> memref<!tpu.dma_semaphore, #tpu.memory_space<semaphore_mem>>
        tpu.enqueue_indirect_dma source(%dma_start3A_183 : memref<10000x128xbf16, #tpu.memory_space<hbm>>) target(%dma_start3A_179 : memref<80x128xbf16, #tpu.memory_space<vmem>>) offsets(%dma_start3A_180 : memref<80xi32, #tpu.memory_space<vmem>>) semaphore(%dma_start3A_185 : memref<!tpu.dma_semaphore, #tpu.memory_space<semaphore_mem>>)
      } else {
      }
      %dma_wait3A = arith.constant 0 : i32
      %dma_wait3A_130 = arith.constant 0 : i32
      %dma_wait3A_131 = tpu.memref_slice %arg8[%rem3A_124, %dma_wait3A, %dma_wait3A_130] : memref<4x80x128xbf16, #tpu.memory_space<vmem>> -> memref<1x80x128xbf16, #tpu.memory_space<vmem>>
      %dma_wait3A_132 = tpu.memref_squeeze %dma_wait3A_131 : memref<1x80x128xbf16, #tpu.memory_space<vmem>> -> memref<80x128xbf16, #tpu.memory_space<vmem>>
      %dma_wait3A_133 = arith.constant 0 : i32
      %dma_wait3A_134 = tpu.memref_slice %arg6[%dma_wait3A_133] : memref<10000xi32, #tpu.memory_space<vmem>> -> memref<80xi32, #tpu.memory_space<vmem>>
      %dma_wait3A_135 = arith.constant 0 : i32
      %dma_wait3A_136 = arith.constant 0 : i32
      %dma_wait3A_137 = tpu.memref_slice %arg2[%dma_wait3A_135, %dma_wait3A_136] : memref<10000x128xbf16, #tpu.memory_space<hbm>> -> memref<10000x128xbf16, #tpu.memory_space<hbm>>
      %dma_wait3A_138 = tpu.memref_slice %arg11[%rem3A_124] : memref<4x!tpu.dma_semaphore, #tpu.memory_space<semaphore_mem>> -> memref<1x!tpu.dma_semaphore, #tpu.memory_space<semaphore_mem>>
      %dma_wait3A_139 = tpu.memref_squeeze %dma_wait3A_138 : memref<1x!tpu.dma_semaphore, #tpu.memory_space<semaphore_mem>> -> memref<!tpu.dma_semaphore, #tpu.memory_space<semaphore_mem>>
      tpu.wait_indirect_dma semaphore(%dma_wait3A_139 : memref<!tpu.dma_semaphore, #tpu.memory_space<semaphore_mem>>) src(%dma_wait3A_137 : memref<10000x128xbf16, #tpu.memory_space<hbm>>) dst(%dma_wait3A_132 : memref<80x128xbf16, #tpu.memory_space<vmem>>)
      %dma_wait3A_140 = arith.constant 0 : i32
      %dma_wait3A_141 = arith.constant 0 : i32
      %dma_wait3A_142 = tpu.memref_slice %arg9[%rem3A_124, %dma_wait3A_140, %dma_wait3A_141] : memref<4x80x128xbf16, #tpu.memory_space<vmem>> -> memref<1x80x128xbf16, #tpu.memory_space<vmem>>
      %dma_wait3A_143 = tpu.memref_squeeze %dma_wait3A_142 : memref<1x80x128xbf16, #tpu.memory_space<vmem>> -> memref<80x128xbf16, #tpu.memory_space<vmem>>
      %dma_wait3A_144 = arith.constant 0 : i32
      %dma_wait3A_145 = tpu.memref_slice %arg7[%dma_wait3A_144] : memref<10000xi32, #tpu.memory_space<vmem>> -> memref<80xi32, #tpu.memory_space<vmem>>
      %dma_wait3A_146 = arith.constant 0 : i32
      %dma_wait3A_147 = arith.constant 0 : i32
      %dma_wait3A_148 = tpu.memref_slice %arg2[%dma_wait3A_146, %dma_wait3A_147] : memref<10000x128xbf16, #tpu.memory_space<hbm>> -> memref<10000x128xbf16, #tpu.memory_space<hbm>>
      %dma_wait3A_149 = tpu.memref_slice %arg11[%rem3A_124] : memref<4x!tpu.dma_semaphore, #tpu.memory_space<semaphore_mem>> -> memref<1x!tpu.dma_semaphore, #tpu.memory_space<semaphore_mem>>
      %dma_wait3A_150 = tpu.memref_squeeze %dma_wait3A_149 : memref<1x!tpu.dma_semaphore, #tpu.memory_space<semaphore_mem>> -> memref<!tpu.dma_semaphore, #tpu.memory_space<semaphore_mem>>
      tpu.wait_indirect_dma semaphore(%dma_wait3A_150 : memref<!tpu.dma_semaphore, #tpu.memory_space<semaphore_mem>>) src(%dma_wait3A_148 : memref<10000x128xbf16, #tpu.memory_space<hbm>>) dst(%dma_wait3A_143 : memref<80x128xbf16, #tpu.memory_space<vmem>>)
      %scan3A_151 = arith.constant 0 : i32
      scf.yield %scan3A_151 : i32
    }
    %scan3A_121 = arith.constant 125 : i32
    "tpu.region"() ({
      %run_scoped3A = tpu.sem_alloc : memref<!tpu.dma_semaphore, #tpu.memory_space<semaphore_mem>>
      %dma_start3A_122 = tpu.memref_slice %arg5[%mul3A_2] : memref<320000xf32, #tpu.memory_space<hbm>> -> memref<10000xf32, #tpu.memory_space<hbm>>
      %dma_start3A_123 = tpu.memref_slice %arg5[%mul3A_2] : memref<320000xf32, #tpu.memory_space<hbm>> -> memref<10000xf32, #tpu.memory_space<hbm>>
      tpu.enqueue_dma source(%arg10 : memref<10000xf32, #tpu.memory_space<vmem>>) target(%dma_start3A_123 : memref<10000xf32, #tpu.memory_space<hbm>>) target_semaphore(%run_scoped3A : memref<!tpu.dma_semaphore, #tpu.memory_space<semaphore_mem>>)
      %dma_wait3A = tpu.memref_slice %arg5[%mul3A_2] : memref<320000xf32, #tpu.memory_space<hbm>> -> memref<10000xf32, #tpu.memory_space<hbm>>
      %dma_wait3A_124 = tpu.memref_slice %arg5[%mul3A_2] : memref<320000xf32, #tpu.memory_space<hbm>> -> memref<10000xf32, #tpu.memory_space<hbm>>
      tpu.wait_dma2 semaphore(%run_scoped3A : memref<!tpu.dma_semaphore, #tpu.memory_space<semaphore_mem>>) src(%arg10 : memref<10000xf32, #tpu.memory_space<vmem>>) dst(%dma_wait3A_124 : memref<10000xf32, #tpu.memory_space<hbm>>)
      tpu.yield
    }) : () -> ()
    return
  }
}

</mosaic_0001>

<sc_bundles>
// kernel: kernel.3.cloned.1.call-start
scs
__scs_entry_jumppad:
0x0: {  	(pc) =	sbr.rel $0x88, $3  }
0x1: {  	(tag) =	ssettag $0x0;
	lr =	simm.s32 $0x1  }
0x2: {  	[smem:$0x3F9F] =	sst lr;
	_ =	strace $0xD0000000  }
0x3: {  	_ = 	snop  }
0x4: {  	_ = 	snop  }
0x5: {  	_ = 	snop  }
0x6: {  	_ = 	snop  }
0x7: {  	_ = 	snop  }
__scs_overlays_trampoline_lowered:
0x8: {  	[smem:$0x3FAE] =	sst s0  }
0x9: {  	[smem:$0x3FAF] =	sst s1  }
0xa: {  	[smem:$0x3FB0] =	sst s2  }
0xb: {  	[smem:$0x3FB1] =	sst s3  }
0xc: {  	[smem:$0x3FB2] =	sst s4  }
0xd: {  	[smem:$0x3FB3] =	sst s5  }
0xe: {  	[smem:$0x3FB4] =	sst s6  }
0xf: {  	[smem:$0x3FB5] =	sst s7  }
0x10: {  	[smem:$0x3FB6] =	sst s8  }
0x11: {  	[smem:$0x3FB7] =	sst s9;
	s0 =	simm.s32 @!p0 $0x0  }
0x12: {  	s1 =	sld [smem:$0x3F9D];
	s0 =	simm.s32 @p0 $0x1  }
0x13: {  	[smem:$0x3FB8] =	sst s0;
	s0 =	simm.s32 @!p1 $0x0  }
0x14: {  	s2 =	sld [smem:$0x3F9C];
	s0 =	simm.s32 @p1 $0x1  }
0x15: {  	[smem:$0x3FB9] =	sst s0;
	s0 =	simm.s32 @!p2 $0x0  }
0x16: {  	s3 =	sld [smem:$0x3FDB];
	s0 =	simm.s32 @p2 $0x1  }
0x17: {  	s4 =	simm.s32 $0x1BF5;
	[smem:$0x3FBB] =	sst s0  }
0x18: {  	s0 =	sld [smem:$0x3F9E];
	_ =	swait.ge [sflag:s4], $0x0  }
0x19: {  	s7 =	sld [smem:$0x3F9F]  }
0x1a: {  	s8 =	sadd.s32 $0xFFFFE003, lr  }
0x1b: {  	s9 =	sadd.s32 $0xFFFFFEF7, lr;
	s5 =	simm.s32 $0xFFFFFFFF;
	p2 =	slt.u32 s8, $0xFFFFF086  }
0x1c: {  	p1 =	slt.u32 s9, $0xF7A;
	s5 =	simm.s32 @!p2 $0x0  }
0x1d: {  	s5 =	simm.s32 @p1 $0x1;
	p0 =	seq.s32 s7, s2  }
0x1e: {  	s7 =	smul.u32 @!p0 $0xF7A, s2;
	p2 =	seq.s32 @!p0 s5, $0x0  }
0x1f: {  	s9 =	smul.u32 $0xF7A, s1;
	s8 =	simm.s32 @!p0 $0x1BF5;
	p2 =	por !p2, p0  }
0x20: {  	[sflag:s8] =	ssyncset.s32 @!p0 $0xFFFFF086;
	s6 =	sadd.s32 @!p0 s3, s7;
	s7 =	simm.s32 @!p0 $0x108  }
0x21: {  	s3 =	sadd.s32 s3, s9;
	s6 =	sadd.s32 @!p0 $0x88, s6;
	s7 =	simm.s32 @p2 $0x1082  }
0x22: {  	[simem:s7], [sflag:s8] =	dma.local @!p0 [hbm:s6], $0xF7A  }
0x23: {  	s9 =	sor.u32 $0xD0000000, s2;
	s6 =	simm.s32 $0x108;
	_ =	swait.ge @!p0 [sflag:s8], $0x0  }
0x24: {  	s3 =	sadd.s32 $0x88, s3;
	s6 =	simm.s32 @!p1 $0x1082;
	[sflag:s4] =	ssyncset.s32 $0xFFFFF086  }
0x25: {  	[simem:s6], [sflag:s4] =	dma.local [hbm:s3], $0xF7A  }
0x26: {  	[smem:$0x3F9F] =	sst s1;
	(tag) =	ssettag s2;
	_ =	strace s9  }
0x27: {  	s1 =	sld [smem:$0x3FAF]  }
0x28: {  	s2 =	sld [smem:$0x3FB0]  }
0x29: {  	s4 =	sld [smem:$0x3FB2]  }
0x2a: {  	p0 =	seq.s32 s5, $0x0;
	s5 =	sld [smem:$0x3FB3]  }
0x2b: {  	s6 =	sld [smem:$0x3FB4]  }
0x2c: {  	s7 =	sld [smem:$0x3FB5]  }
0x2d: {  	s3 =	simm.s32 $0x108;
	s8 =	sld [smem:$0x3FB6]  }
0x2e: {  	s3 =	simm.s32 @!p0 $0x1082;
	s9 =	sld [smem:$0x3FB7]  }
0x2f: {  	lr =	sadd.s32 s0, s3;
	s0 =	sld [smem:$0x3FAE]  }
0x30: {  	s3 =	sld [smem:$0x3FB1]  }
0x31: {  	[smem:$0x3FBA] =	sst s10  }
0x32: {  	s10 =	sld [smem:$0x3FB8];
	_ =	sdelay $0x3  }
0x33: {  	p0 =	seq.s32 s10, $0x1;
	s10 =	sld [smem:$0x3FBA];
	_ =	sdelay $0x3  }
0x34: {  	[smem:$0x3FBA] =	sst s10  }
0x35: {  	s10 =	sld [smem:$0x3FB9];
	_ =	sdelay $0x3  }
0x36: {  	p1 =	seq.s32 s10, $0x1;
	s10 =	sld [smem:$0x3FBA];
	_ =	sdelay $0x3  }
0x37: {  	[smem:$0x3FBA] =	sst s10  }
0x38: {  	s10 =	sld [smem:$0x3FBB]  }
0x39: {  	_ = 	snop;
	(pc) =	sbr.ind lr, $3  }
0x3a: {  	_ = 	snop  }
0x3b: {  	_ = 	snop  }
0x3c: {  	p2 =	seq.s32 s10, $0x1;
	s10 =	sld [smem:$0x3FBA]  }
0x3d: {  	_ =	shalt  }
0x3e: {  	_ =	shalt  }
0x3f: {  	_ =	shalt  }
0x40: {  	_ =	shalt  }
0x41: {  	_ =	shalt  }
0x42: {  	_ =	shalt  }
0x43: {  	_ =	shalt  }
0x44: {  	_ =	shalt  }
0x45: {  	_ =	shalt  }
0x46: {  	_ =	shalt  }
0x47: {  	_ =	shalt  }
0x48: {  	_ =	shalt  }
0x49: {  	_ =	shalt  }
0x4a: {  	_ =	shalt  }
0x4b: {  	_ =	shalt  }
0x4c: {  	_ =	shalt  }
0x4d: {  	_ =	shalt  }
0x4e: {  	_ =	shalt  }
0x4f: {  	_ =	shalt  }
0x50: {  	_ =	shalt  }
0x51: {  	_ =	shalt  }
0x52: {  	_ =	shalt  }
0x53: {  	_ =	shalt  }
0x54: {  	_ =	shalt  }
0x55: {  	_ =	shalt  }
0x56: {  	_ =	shalt  }
0x57: {  	_ =	shalt  }
0x58: {  	_ =	shalt  }
0x59: {  	_ =	shalt  }
0x5a: {  	_ =	shalt  }
0x5b: {  	_ =	shalt  }
0x5c: {  	_ =	shalt  }
0x5d: {  	_ =	shalt  }
0x5e: {  	_ =	shalt  }
0x5f: {  	_ =	shalt  }
0x60: {  	_ =	shalt  }
0x61: {  	_ =	shalt  }
0x62: {  	_ =	shalt  }
0x63: {  	_ =	shalt  }
0x64: {  	_ =	shalt  }
0x65: {  	_ =	shalt  }
0x66: {  	_ =	shalt  }
0x67: {  	_ =	shalt  }
0x68: {  	_ =	shalt  }
0x69: {  	_ =	shalt  }
0x6a: {  	_ =	shalt  }
0x6b: {  	_ =	shalt  }
0x6c: {  	_ =	shalt  }
0x6d: {  	_ =	shalt  }
0x6e: {  	_ =	shalt  }
0x6f: {  	_ =	shalt  }
0x70: {  	_ =	shalt  }
0x71: {  	_ =	shalt  }
0x72: {  	_ =	shalt  }
0x73: {  	_ =	shalt  }
0x74: {  	_ =	shalt  }
0x75: {  	_ =	shalt  }
0x76: {  	_ =	shalt  }
0x77: {  	_ =	shalt  }
0x78: {  	_ =	shalt  }
0x79: {  	_ =	shalt  }
0x7a: {  	_ =	shalt  }
0x7b: {  	_ =	shalt  }
0x7c: {  	_ =	shalt  }
0x7d: {  	_ =	shalt  }
0x7e: {  	_ =	shalt  }
0x7f: {  	_ =	shalt  }
0x80: {  	_ =	shalt  }
0x81: {  	_ =	shalt  }
0x82: {  	_ =	shalt  }
0x83: {  	_ =	shalt  }
0x84: {  	_ =	shalt  }
0x85: {  	_ =	shalt  }
0x86: {  	_ =	shalt  }
0x87: {  	_ =	shalt  }
.Lfunc_end0:
.L_simem_size_0:
called_computation_lowered:
.L_overlay_start_0:
0x88: {  	s2 =	sld [smem:$0x3FD9]  }
0x89: {  	s3 =	sld [smem:$0x3FFE];
	_ =	sdelay $0x1  }
0x8a: {  	s1 =	srdreg.scid  }
0x8b: {  	s0 =	sand.u32 $0x1, s1  }
0x8c: {  	s17 =	sshll.u32 s0, $0xA;
	s2 =	sadd.s32 s3, s2  }
0x8d: {  	s2 =	sadd.s32 s2, s17  }
0x8e: {  	[smem:$0x3FC6] =	sst s2  }
0x8f: {  	_ = 	snop  }
0x90: {  	s2 =	sld [smem:$0x3FD0];
	(tm) =	ssettm $0x1  }
0x91: {  	s18 =	sld [smem:$0x3FFB];
	_ =	sdelay $0x3  }
0x92: {  	_ =	strace s18  }
0x93: {  	s3 =	sld [smem:$0x3FFC];
	_ =	sdelay $0x3  }
0x94: {  	_ =	strace s3  }
0x95: {  	s3 =	sld [smem:$0x3FFD];
	_ =	sdelay $0x3  }
0x96: {  	_ =	strace s3  }
0x97: {  	_ =	strace $0x8FFFFFFF  }
0x98: {  	s19 =	sld [smem:$0x3FDB];
	_ =	sdelay $0x1  }
0x99: {  	s4 =	simm.s32 $_scs_section_size  }
0x9a: {  	s5 =	simm.s32 $_size__tile_overlayer_lowered;
	s6 =	simm.s32 $_tile_overlayer_lowered  }
0x9b: {  	s22 =	simm.s32 $0x1BFF;
	s21 =	sshll.u32 s6, $0x1;
	s3 =	sadd.s32 s4, s19  }
0x9c: {  	s7 =	simm.s32 $0x0;
	s20 =	sshll.u32 s5, $0x1;
	s5 =	sadd.s32 s21, s3  }
0x9d: {  	[timem:s7], [sflag:s22] =	dma.local [hbm:s5], s20  }
0x9e: {  	_ =	swait.ge [sflag:s22], s20  }
0x9f: {  	s4 =	ssub.s32 $0x0, s20;
	[sflag:s22] =	ssyncset.done $0x0  }
0xa0: {  	[sflag:s22] =	ssyncadd.s32 s4;
	_ =	sdelay $0x1  }
0xa1: {  	s23 =	simm.s32 $0x1B8B  }
0xa2: {  	_ =	swait.ge [sflag:s23], $0x1  }
0xa3: {  	[sflag:s23] =	ssyncset.done $0x0  }
0xa4: {  	s25 =	simm.s32 $0x1B8E;
	s24 =	sld [smem:$0x3FFE];
	[sflag:s23] =	ssyncadd.s32 $0xFFFFFFFF  }
0xa5: {  	s26 =	simm.s32 $execute0_lowered;
	[smem:$0x3FD2] =	sst s25  }
0xa6: {  	s5 =	sshll.u32 s26, $0x1;
	_ =	strace $0x80000046;
	[dreg:$0x1] =	wrdreg $0xFFFFFFFF  }
0xa7: {  	s28 =	simm.s32 $_size_execute0_lowered;
	s3 =	sadd.s32 s3, s5;
	[dreg:$0x0] =	wrdreg $0x0  }
0xa8: {  	s5 =	sshll.u32 s28, $0x1;
	[dreg:$0x2] =	wrdreg s3  }
0xa9: {  	[dreg:$0x3] =	wrdreg s5  }
0xaa: {  	[dreg:$0x4] =	wrdreg $0xC0  }
0xab: {  	_ =	task [dreg:s7], $0x5FFFF  }
0xac: {  	[dreg:$0x1] =	wrdreg $0xFFFFFFFF  }
0xad: {  	[dreg:$0x0] =	wrdreg $0x60  }
0xae: {  	[dreg:$0x2] =	wrdreg s24  }
0xaf: {  	[dreg:$0x3] =	wrdreg s2  }
0xb0: {  	[dreg:$0x4] =	wrdreg $0x9  }
0xb1: {  	_ =	task.clear_ibuf [dreg:s7], $0x5FFFF;
	_ =	strace $0x90000046  }
0xb2: {  	s29 =	simm.s32 $0x9;
	_ =	strace $0x80000048  }
0xb3: {  	_ =	swait.ge [sflag:s29], $0x1  }
0xb4: {  	[sflag:s29] =	ssyncadd.s32 $0xFFFFFFFF  }
0xb5: {  	_ =	strace $0x90000048  }
0xb6: {  	_ =	sfence  }
0xb7: {  	s30 =	sld [smem:$0x0];
	_ =	sdelay $0x2  }
0xb8: {  	s31 =	sshll.u32 s1, $0xD;
	s1 =	sshrl.u32 s1, $0x2  }
0xb9: {  	s3 =	sand.u32 $0x4000, s31;
	s1 =	sadd.s32 s1, s30  }
0xba: {  	s0 =	sor.u32 s3, s0;
	s1 =	sshll.u32 s1, $0x11  }
0xbb: {  	s0 =	sor.u32 s1, s0  }
0xbc: {  	s0 =	sadd.s32 $0x8F2B, s0  }
0xbd: {  	[sflag:s0] =	ssyncadd.remote.s32 $0x1  }
0xbe: {  	_ =	sfence.sel $0xFFFF  }
0xbf: {  	[dreg:$0x0] =	wrdreg $0xFFFFFFFF;
	(pc) =	sbr.abs _section_cstart, $3  }
0xc0: {  	[dreg:$0x1] =	wrdreg $0xFFFFFFFF  }
0xc1: {  	_ =	task.clear_ibuf [dreg:s7], $0x2FFFF;
	_ =	strace $0x9FFFFFFF  }
0xc2: {  	(tm) =	ssettm $0x7FFFFFFF  }
0xc3: {  	_ =	shalt  }
tec
execute0_lowered:
.L_overlay_start_1:
0x0: {  	(tag) =	ssettag $0x1  }
0x1: {  	s2 =	rddreg [dreg:$0x0];
	s1 =	srdreg.scid  }
0x2: {  	s0 =	stileid.u32;
	s6 =	rddreg [dreg:$0x1]  }
0x3: {  	s10 =	simm.s32 $0x50;
	s11 =	simm.s32 $0x4E20;
	s12 =	simm.s32 $0x9E20  }
0x4: {  	s13 =	simm.s32 $0x6220;
	s14 =	simm.s32 $0x2760;
	s15 =	simm.s32 $0xB220  }
0x5: {  	s16 =	simm.s32 $0xA0;
	s17 =	simm.s32 $0x7620;
	s18 =	simm.s32 $0x27B0  }
0x6: {  	s19 =	simm.s32 $0xC620;
	s4 =	sand.u32 $0x1, s1;
	s3 =	sshll.u32 s0, $0x1  }
0x7: {  	s20 =	simm.s32 $0xEE20;
	s1 =	rddreg [dreg:$0x2];
	s5 =	sor.u32 s4, s3  }
0x8: {  	s3 =	simm.s32 $0x0;
	s4 =	ssub.s32 $0x2, s4;
	s7 =	smul.u32 $0x4E2, s5  }
0x9: {  	s21 =	simm.s32 $0x0;
	[smem:$0x7FF] =	sst s3;
	s31 =	sshrl.u32 s4, $0x1  }
0xa: {  	_ =	strace $0x80000047;
	s9 =	ssub.s32 s4, s31;
	s8 =	sadd.s32 s7, s2  }
0xb: {  	s6 =	sadd.s32 s6, s7;
	s7 =	smax.u32 s9, $0x1;
	s9 =	simm.s32 $0x2710  }
0xc: {  	s4 =	sadd.s32 $0x1D800, s8;
	s5 =	sadd.s32 $0x13A00, s8;
	s8 =	simm.s32 $0x5  }
.LBB2_1:
0xd: {  	[tilespmem:s3], [sflag:$0x5] =	stream.linear.gather [hbm4b:s4+s3], $0x2710, $0x38;
	[tilespmem:$0x11530] =	vst v63  }
0xe: {  	_ =	swait.ge [sflag:s8], $0x2710  }
0xf: {  	[sflag:s8] =	ssyncset.done $0x0  }
0x10: {  	[sflag:s8] =	ssyncadd.s32 $0xFFFFD8F0  }
0x11: {  	[tilespmem:s9], [sflag:$0x5] =	stream.linear.gather [hbm4b:s5+s3], $0x2710, $0x38;
	[tilespmem:$0x11530] =	vst v63  }
0x12: {  	_ =	swait.ge [sflag:s8], $0x2710  }
0x13: {  	[sflag:s8] =	ssyncset.done $0x0  }
0x14: {  	[sflag:s8] =	ssyncadd.s32 $0xFFFFD8F0  }
0x15: {  	[tilespmem:s11], [sflag:$0x1] =	stream.indirect.gather [hbm4b:s2+s10], $0x40, s3, s10, $0xb8;
	[tilespmem:$0x11530] =	vst v63  }
0x16: {  	_ = 	snop  }
0x17: {  	[tilespmem:s12], [sflag:$0x1] =	stream.indirect.gather [hbm4b:s2+s10], $0x40, s9, s10, $0xb8;
	[tilespmem:$0x11530] =	vst v63  }
0x18: {  	s22 =	simm.s32 $0x3;
	p0 =	por $0x0, $0x0  }
0x19: {  	[tilespmem:s13], [sflag:$0x2] =	stream.indirect.gather [hbm4b:s2+s10], $0x40, s10, s10, $0xb8;
	[tilespmem:$0x11530] =	vst v63  }
0x1a: {  	s22 =	sand.u32 @!p0 $0x3, s22  }
0x1b: {  	[tilespmem:s15], [sflag:$0x2] =	stream.indirect.gather [hbm4b:s2+s10], $0x40, s14, s10, $0xb8;
	[tilespmem:$0x11530] =	vst v63  }
0x1c: {  	s24 =	simm.s32 $0x0;
	s23 =	smul.u32 @!p0 $0x2800, s22  }
0x1d: {  	[tilespmem:s17], [sflag:$0x3] =	stream.indirect.gather [hbm4b:s2+s10], $0x40, s16, s10, $0xb8;
	[tilespmem:$0x11530] =	vst v63  }
0x1e: {  	s25 =	simm.s32 $0xF0;
	s24 =	sand.u32 $0x3, s24;
	s23 =	sshrl.u32 @!p0 s23, $0x1  }
0x1f: {  	[tilespmem:s19], [sflag:$0x3] =	stream.indirect.gather [hbm4b:s2+s10], $0x40, s18, s10, $0xb8;
	[tilespmem:$0x11530] =	vst v63  }
0x20: {  	s26 =	simm.s32 @!p0 $0x50;
	s22 =	sadd.s32 @!p0 $0x1, s22;
	s28 =	sadd.s32 @!p0 $0x4E20, s23  }
0x21: {  	[tilespmem:s28], [sflag:s22] =	stream.indirect.gather @!p0 [hbm4b:s2+s26], $0x40, s25, s26, $0xb8;
	[tilespmem:$0x11530] =	vst v63  }
0x22: {  	s25 =	simm.s32 $0x2800;
	s28 =	sadd.s32 @!p0 $0x9E20, s23;
	s23 =	sadd.s32 $0x1, s24  }
0x23: {  	[tilespmem:s28], [sflag:s22] =	stream.indirect.gather @!p0 [hbm4b:s2+s26], $0x40, s25, s26, $0xb8;
	[tilespmem:$0x11530] =	vst v63  }
0x24: {  	s31 =	simm.s32 $0x1;
	_ =	swait.ge [sflag:s23], $0x1400  }
0x25: {  	s24 =	simm.s32 $0x4;
	p0 =	por $0x0, $0x0;
	[sflag:s23] =	ssyncset.done $0x0  }
0x26: {  	s22 =	simm.s32 $0x5;
	s28 =	sand.u32 @!p0 $0x3, s24;
	[sflag:s23] =	ssyncadd.s32 $0xFFFFEC00  }
0x27: {  	s26 =	sand.u32 $0x3, s31;
	s29 =	smul.u32 @!p0 $0x2800, s28;
	_ =	swait.ge [sflag:s23], $0x1400  }
0x28: {  	s25 =	simm.s32 $0x140;
	s24 =	simm.s32 $0x2850;
	[sflag:s23] =	ssyncset.done $0x0  }
.LBB2_2:
0x29: {  	s29 =	sshrl.u32 @!p0 s29, $0x1;
	s30 =	simm.s32 @!p0 $0x50  }
0x2a: {  	[sflag:s23] =	ssyncadd.s32 $0xFFFFEC00;
	s28 =	sadd.s32 @!p0 $0x1, s28;
	s31 =	smov.u32 s22  }
0x2b: {  	s22 =	sadd.s32 $0x1, s22;
	s23 =	sadd.s32 @!p0 $0x4E20, s29;
	s29 =	sadd.s32 @!p0 $0x9E20, s29  }
0x2c: {  	[tilespmem:s23], [sflag:s28] =	stream.indirect.gather @!p0 [hbm4b:s2+s30], $0x40, s25, s30, $0xb8;
	[tilespmem:$0x11530] =	vst v63  }
0x2d: {  	p1 =	sne.s32 s22, $0x80;
	s23 =	sadd.s32 $0x1, s26  }
0x2e: {  	[tilespmem:s29], [sflag:s28] =	stream.indirect.gather @!p0 [hbm4b:s2+s30], $0x40, s24, s30, $0xb8;
	[tilespmem:$0x11530] =	vst v63  }
.Ltmp0:
0x2f: {  	s28 =	sadd.s32 $0xFFFFFFFD, s31;
	_ =	swait.ge [sflag:s23], $0x1400;
	(pc) =	sbr.rel @p1 .LBB2_2-.Ltmp0, $4  }
0x30: {  	s26 =	sand.u32 $0x3, s28;
	p0 =	sgt.u32 s28, $0x79;
	[sflag:s23] =	ssyncset.done $0x0  }
0x31: {  	s28 =	sand.u32 @!p0 $0x3, s31;
	[sflag:s23] =	ssyncadd.s32 $0xFFFFEC00  }
0x32: {  	s29 =	smul.u32 @!p0 $0x2800, s28;
	_ =	swait.ge [sflag:s23], $0x1400  }
0x33: {  	s25 =	sadd.s32 $0x50, s25;
	s24 =	sadd.s32 $0x50, s24;
	[sflag:s23] =	ssyncset.done $0x0  }
0x34: {  	s22 =	sshrl.u32 @!p0 s29, $0x1;
	s29 =	simm.s32 @!p0 $0x50  }
0x35: {  	[sflag:s23] =	ssyncadd.s32 $0xFFFFEC00;
	s28 =	sadd.s32 @!p0 $0x1, s28;
	s23 =	sadd.s32 @!p0 $0x4E20, s22  }
0x36: {  	[tilespmem:s23], [sflag:s28] =	stream.indirect.gather @!p0 [hbm4b:s2+s29], $0x40, s25, s29, $0xb8;
	[tilespmem:$0x11530] =	vst v63  }
0x37: {  	s31 =	sadd.s32 $0x1, s26;
	s22 =	sadd.s32 @!p0 $0x9E20, s22  }
0x38: {  	[tilespmem:s22], [sflag:s28] =	stream.indirect.gather @!p0 [hbm4b:s2+s29], $0x40, s24, s29, $0xb8;
	[tilespmem:$0x11530] =	vst v63  }
0x39: {  	_ =	swait.ge [sflag:s31], $0x1400  }
0x3a: {  	[sflag:s31] =	ssyncset.done $0x0  }
0x3b: {  	[sflag:s31] =	ssyncadd.s32 $0xFFFFEC00  }
0x3c: {  	s21 =	sadd.s32 $0x1, s21;
	_ =	swait.ge [sflag:s31], $0x1400  }
0x3d: {  	p0 =	sne.s32 s21, s7;
	[sflag:s31] =	ssyncset.done $0x0  }
.Ltmp1:
0x3e: {  	[sflag:s31] =	ssyncadd.s32 $0xFFFFEC00;
	(pc) =	sbr.rel @p0 .LBB2_1-.Ltmp1, $4  }
0x3f: {  	[hbm4b:s6+s3] =	stream.linear.scatter [tilespmem:s20], [sflag:$0x5], $0x2710, $0x38;
	[tilespmem:$0x11530] =	vst v63  }
0x40: {  	_ =	swait.ge [sflag:s8], $0x2710  }
0x41: {  	[sflag:s8] =	ssyncset.done $0x0  }
0x42: {  	[sflag:s8] =	ssyncadd.s32 $0xFFFFD8F0  }
0x43: {  	_ =	sfence.sel $0x180000  }
0x44: {  	[bflag:$0x0] =	sbarrier.arrive $0xFFFF  }
0x45: {  	p0 =	sne.s32 s0, $0x0;
	_ =	strace $0x90000047  }
0x46: {  	s0 =	sadd.s32 @!p0 $0x100000, s1;
	[bflag:$0x2] =	sbarrier.arrive $0xFFFF  }
0x47: {  	[sflag:s0] =	ssyncadd.tile.s32 @!p0 $0x1;
	_ =	shalt  }
.Lfunc_end2:
_tile_overlayer_lowered:
.L_overlay_start_2:
0x48: {  	(tag) =	ssettag $0x2  }
0x49: {  	s0 =	rddreg [dreg:$0x0];
	s2 =	stileid.u32  }
0x4a: {  	s1 =	rddreg [dreg:$0x1];
	p0 =	sne.s32 s2, $0x0  }
0x4b: {  	s3 =	rddreg [dreg:$0x2];
	[bflag:$0x3] =	sbarrier.arrive $0xFFFF;
	s2 =	simm.s32 @!p0 $0x1C05  }
0x4c: {  	[timem:s3], [sflag:s2] =	dma.local @!p0 [hbm:s0], s1  }
0x4d: {  	s0 =	simm.s32 @!p0 $0x5  }
0x4e: {  	_ =	swait.ge @!p0 [sflag:s0], s1  }
0x4f: {  	s1 =	ssub.s32 @!p0 $0x0, s1;
	[sflag:s0] =	ssyncset.done @!p0 $0x0  }
0x50: {  	[sflag:s0] =	ssyncadd.s32 @!p0 s1  }
0x51: {  	[bflag:$0x3] =	sbarrier.arrive $0xFFFF  }
0x52: {  	_ =	shalt  }

</sc_bundles>
